<compile_context>
chip_gen: v7x
topology: tpu7x:2x2x1
jax: 0.10.2.dev20260603
libtpu: 0.0.44.dev20260713+nightly
codegen_flags: <defaults>
</compile_context>

<pallas_src>
import functools

import jax
import jax.numpy as jnp
from jax import lax
from jax.experimental import pallas as pl
from jax.experimental.pallas import tpu as pltpu
from jax.experimental.pallas import tpu_sc as plsc

_D = 256
_S = 8192
_B = 4
_NC = 2
_NS = 16
_NW = _NC * _NS
_ROWS = _S // _NW
_CHUNK = 128

_mesh = plsc.VectorSubcoreMesh(core_axis_name="c", subcore_axis_name="s")


@functools.partial(
    pl.kernel,
    mesh=_mesh,
    out_type=jax.ShapeDtypeStruct((_B, _S, _D), jnp.float32),
    scratch_types=[
        pltpu.VMEM((_ROWS, _D), jnp.float32),
        pltpu.SemaphoreType.DMA,
        pltpu.SemaphoreType.DMA,
    ],
)
def _broadcast_rows(emb_hbm, out_hbm, buf, rsem, wsem):
    wid = lax.axis_index("s") * _NC + lax.axis_index("c")
    base = wid * _ROWS
    nchunks = _ROWS // _CHUNK
    reads = [
        pltpu.async_copy(
            emb_hbm.at[pl.ds(base + i * _CHUNK, _CHUNK)],
            buf.at[pl.ds(i * _CHUNK, _CHUNK)],
            rsem,
        )
        for i in range(nchunks)
    ]
    writes = []
    for i in range(nchunks):
        reads[i].wait()
        writes += [
            pltpu.async_copy(
                buf.at[pl.ds(i * _CHUNK, _CHUNK)],
                out_hbm.at[b, pl.ds(base + i * _CHUNK, _CHUNK)],
                wsem,
            )
            for b in range(_B)
        ]
    for w in writes:
        w.wait()


def kernel(seq_in_embeds, embedding):
    del seq_in_embeds
    return _broadcast_rows(embedding)

# --- scband reference (transcript-rebuilt; emitter-appended) ---
"""Pipeline reference for scband-learned-positional-encoding1-d-88416196756308 (READ-ONLY COPY).

The authoritative reference and input builder live on the scoring server;
editing this copy changes nothing except your own understanding.
"""

import jax, jax.numpy as jnp
import numpy as np

D = 256
MAX_LEN = 8192

def setup_inputs(seed: int = 0) -> dict:
    key = jax.random.key(seed)
    k1, k2 = jax.random.split(key)
    seq_in_embeds = jax.random.normal(k1, (4, 5, 8192), dtype=jnp.float32)
    embedding = jax.random.normal(k2, (MAX_LEN, D), dtype=jnp.float32) * 0.02
    return {"seq_in_embeds": seq_in_embeds, "embedding": embedding}

def reference(seq_in_embeds, embedding):
    # Faithful to the torch module: seq_len is taken from the LAST dim of the input
    bs = seq_in_embeds.shape[0]
    seq_len = seq_in_embeds.shape[-1]
    position = jnp.arange(seq_len, dtype=jnp.int64 if jax.config.jax_enable_x64 else jnp.int32)
    position = jnp.tile(position[None, :], (bs, 1))  # [bs, seq_len]
    out = jnp.take(embedding, position, axis=0)  # [bs, seq_len, d]
    return out

if __name__ == "__main__":
    import jax
    _d = setup_inputs()
    print(jax.jit(kernel)(*tuple(_d.values())))

</pallas_src>

<mosaic_0001>
#map = affine_map<(d0, d1) -> (0, 0)>
#map1 = affine_map<(d0, d1) -> (0, 0, 0)>
module attributes {stable_mosaic.version = 14 : i64} {
  func.func @_broadcast_rows(%arg0: i32, %arg1: i32, %arg2: memref<8192x256xf32, #tpu.memory_space<hbm>>, %arg3: memref<4x8192x256xf32, #tpu.memory_space<hbm>>, %arg4: memref<256x256xf32, #tpu.memory_space<vmem>>, %arg5: memref<!tpu.dma_semaphore, #tpu.memory_space<semaphore_mem>>, %arg6: memref<!tpu.dma_semaphore, #tpu.memory_space<semaphore_mem>>) attributes {dimension_semantics = [#tpu.dimension_semantics<core_parallel>, #tpu.dimension_semantics<subcore_parallel>], iteration_bounds = array<i64: 2, 16>, scalar_prefetch = 0 : i64, scratch_operands = 3 : i64, tpu.core_type = #tpu.core_type<sc_vector_subcore>, window_params = [{transform_indices = #map}, {transform_indices = #map1}]} {
    %mul3A = arith.constant 2 : i32
    %mul3A_0 = arith.muli %arg1, %mul3A : i32
    %add3A = arith.addi %mul3A_0, %arg0 : i32
    %mul3A_1 = arith.constant 256 : i32
    %mul3A_2 = arith.muli %add3A, %mul3A_1 : i32
    %add3A_3 = arith.constant 0 : i32
    %add3A_4 = arith.addi %mul3A_2, %add3A_3 : i32
    %dma_start3A = arith.constant 0 : i32
    %dma_start3A_5 = arith.constant 0 : i32
    %dma_start3A_6 = tpu.memref_slice %arg4[%dma_start3A, %dma_start3A_5] : memref<256x256xf32, #tpu.memory_space<vmem>> -> memref<128x256xf32, #tpu.memory_space<vmem>>
    %dma_start3A_7 = arith.constant 0 : i32
    %dma_start3A_8 = tpu.memref_slice %arg2[%add3A_4, %dma_start3A_7] : memref<8192x256xf32, #tpu.memory_space<hbm>> -> memref<128x256xf32, #tpu.memory_space<hbm>>
    %dma_start3A_9 = arith.constant 0 : i32
    %dma_start3A_10 = arith.constant 0 : i32
    %dma_start3A_11 = tpu.memref_slice %arg4[%dma_start3A_9, %dma_start3A_10] : memref<256x256xf32, #tpu.memory_space<vmem>> -> memref<128x256xf32, #tpu.memory_space<vmem>>
    %dma_start3A_12 = arith.constant 0 : i32
    %dma_start3A_13 = tpu.memref_slice %arg2[%add3A_4, %dma_start3A_12] : memref<8192x256xf32, #tpu.memory_space<hbm>> -> memref<128x256xf32, #tpu.memory_space<hbm>>
    tpu.enqueue_dma source(%dma_start3A_13 : memref<128x256xf32, #tpu.memory_space<hbm>>) target(%dma_start3A_11 : memref<128x256xf32, #tpu.memory_space<vmem>>) target_semaphore(%arg5 : memref<!tpu.dma_semaphore, #tpu.memory_space<semaphore_mem>>)
    %add3A_14 = arith.constant 128 : i32
    %add3A_15 = arith.addi %mul3A_2, %add3A_14 : i32
    %dma_start3A_16 = arith.constant 128 : i32
    %dma_start3A_17 = arith.constant 0 : i32
    %dma_start3A_18 = tpu.memref_slice %arg4[%dma_start3A_16, %dma_start3A_17] : memref<256x256xf32, #tpu.memory_space<vmem>> -> memref<128x256xf32, #tpu.memory_space<vmem>>
    %dma_start3A_19 = arith.constant 0 : i32
    %dma_start3A_20 = tpu.memref_slice %arg2[%add3A_15, %dma_start3A_19] : memref<8192x256xf32, #tpu.memory_space<hbm>> -> memref<128x256xf32, #tpu.memory_space<hbm>>
    %dma_start3A_21 = arith.constant 128 : i32
    %dma_start3A_22 = arith.constant 0 : i32
    %dma_start3A_23 = tpu.memref_slice %arg4[%dma_start3A_21, %dma_start3A_22] : memref<256x256xf32, #tpu.memory_space<vmem>> -> memref<128x256xf32, #tpu.memory_space<vmem>>
    %dma_start3A_24 = arith.constant 0 : i32
    %dma_start3A_25 = tpu.memref_slice %arg2[%add3A_15, %dma_start3A_24] : memref<8192x256xf32, #tpu.memory_space<hbm>> -> memref<128x256xf32, #tpu.memory_space<hbm>>
    tpu.enqueue_dma source(%dma_start3A_25 : memref<128x256xf32, #tpu.memory_space<hbm>>) target(%dma_start3A_23 : memref<128x256xf32, #tpu.memory_space<vmem>>) target_semaphore(%arg5 : memref<!tpu.dma_semaphore, #tpu.memory_space<semaphore_mem>>)
    %dma_wait3A = arith.constant 0 : i32
    %dma_wait3A_26 = arith.constant 0 : i32
    %dma_wait3A_27 = tpu.memref_slice %arg4[%dma_wait3A, %dma_wait3A_26] : memref<256x256xf32, #tpu.memory_space<vmem>> -> memref<128x256xf32, #tpu.memory_space<vmem>>
    %dma_wait3A_28 = arith.constant 0 : i32
    %dma_wait3A_29 = tpu.memref_slice %arg2[%add3A_4, %dma_wait3A_28] : memref<8192x256xf32, #tpu.memory_space<hbm>> -> memref<128x256xf32, #tpu.memory_space<hbm>>
    %dma_wait3A_30 = arith.constant 0 : i32
    %dma_wait3A_31 = arith.constant 0 : i32
    %dma_wait3A_32 = tpu.memref_slice %arg4[%dma_wait3A_30, %dma_wait3A_31] : memref<256x256xf32, #tpu.memory_space<vmem>> -> memref<128x256xf32, #tpu.memory_space<vmem>>
    %dma_wait3A_33 = arith.constant 0 : i32
    %dma_wait3A_34 = tpu.memref_slice %arg2[%add3A_4, %dma_wait3A_33] : memref<8192x256xf32, #tpu.memory_space<hbm>> -> memref<128x256xf32, #tpu.memory_space<hbm>>
    tpu.wait_dma2 semaphore(%arg5 : memref<!tpu.dma_semaphore, #tpu.memory_space<semaphore_mem>>) src(%dma_wait3A_34 : memref<128x256xf32, #tpu.memory_space<hbm>>) dst(%dma_wait3A_32 : memref<128x256xf32, #tpu.memory_space<vmem>>)
    %add3A_35 = arith.constant 0 : i32
    %add3A_36 = arith.addi %mul3A_2, %add3A_35 : i32
    %dma_start3A_37 = arith.constant 0 : i32
    %dma_start3A_38 = arith.constant 0 : i32
    %dma_start3A_39 = arith.constant 0 : i32
    %dma_start3A_40 = tpu.memref_slice %arg4[%dma_start3A_38, %dma_start3A_39] : memref<256x256xf32, #tpu.memory_space<vmem>> -> memref<128x256xf32, #tpu.memory_space<vmem>>
    %dma_start3A_41 = arith.constant 0 : i32
    %dma_start3A_42 = tpu.memref_slice %arg3[%dma_start3A_37, %add3A_36, %dma_start3A_41] : memref<4x8192x256xf32, #tpu.memory_space<hbm>> -> memref<1x128x256xf32, #tpu.memory_space<hbm>>
    %dma_start3A_43 = tpu.memref_squeeze %dma_start3A_42 : memref<1x128x256xf32, #tpu.memory_space<hbm>> -> memref<128x256xf32, #tpu.memory_space<hbm>>
    %dma_start3A_44 = arith.constant 0 : i32
    %dma_start3A_45 = tpu.memref_slice %arg3[%dma_start3A_37, %add3A_36, %dma_start3A_44] : memref<4x8192x256xf32, #tpu.memory_space<hbm>> -> memref<1x128x256xf32, #tpu.memory_space<hbm>>
    %dma_start3A_46 = tpu.memref_squeeze %dma_start3A_45 : memref<1x128x256xf32, #tpu.memory_space<hbm>> -> memref<128x256xf32, #tpu.memory_space<hbm>>
    %dma_start3A_47 = arith.constant 0 : i32
    %dma_start3A_48 = arith.constant 0 : i32
    %dma_start3A_49 = tpu.memref_slice %arg4[%dma_start3A_47, %dma_start3A_48] : memref<256x256xf32, #tpu.memory_space<vmem>> -> memref<128x256xf32, #tpu.memory_space<vmem>>
    tpu.enqueue_dma source(%dma_start3A_49 : memref<128x256xf32, #tpu.memory_space<vmem>>) target(%dma_start3A_46 : memref<128x256xf32, #tpu.memory_space<hbm>>) target_semaphore(%arg6 : memref<!tpu.dma_semaphore, #tpu.memory_space<semaphore_mem>>)
    %add3A_50 = arith.constant 0 : i32
    %add3A_51 = arith.addi %mul3A_2, %add3A_50 : i32
    %dma_start3A_52 = arith.constant 1 : i32
    %dma_start3A_53 = arith.constant 0 : i32
    %dma_start3A_54 = arith.constant 0 : i32
    %dma_start3A_55 = tpu.memref_slice %arg4[%dma_start3A_53, %dma_start3A_54] : memref<256x256xf32, #tpu.memory_space<vmem>> -> memref<128x256xf32, #tpu.memory_space<vmem>>
    %dma_start3A_56 = arith.constant 0 : i32
    %dma_start3A_57 = tpu.memref_slice %arg3[%dma_start3A_52, %add3A_51, %dma_start3A_56] : memref<4x8192x256xf32, #tpu.memory_space<hbm>> -> memref<1x128x256xf32, #tpu.memory_space<hbm>>
    %dma_start3A_58 = tpu.memref_squeeze %dma_start3A_57 : memref<1x128x256xf32, #tpu.memory_space<hbm>> -> memref<128x256xf32, #tpu.memory_space<hbm>>
    %dma_start3A_59 = arith.constant 0 : i32
    %dma_start3A_60 = tpu.memref_slice %arg3[%dma_start3A_52, %add3A_51, %dma_start3A_59] : memref<4x8192x256xf32, #tpu.memory_space<hbm>> -> memref<1x128x256xf32, #tpu.memory_space<hbm>>
    %dma_start3A_61 = tpu.memref_squeeze %dma_start3A_60 : memref<1x128x256xf32, #tpu.memory_space<hbm>> -> memref<128x256xf32, #tpu.memory_space<hbm>>
    %dma_start3A_62 = arith.constant 0 : i32
    %dma_start3A_63 = arith.constant 0 : i32
    %dma_start3A_64 = tpu.memref_slice %arg4[%dma_start3A_62, %dma_start3A_63] : memref<256x256xf32, #tpu.memory_space<vmem>> -> memref<128x256xf32, #tpu.memory_space<vmem>>
    tpu.enqueue_dma source(%dma_start3A_64 : memref<128x256xf32, #tpu.memory_space<vmem>>) target(%dma_start3A_61 : memref<128x256xf32, #tpu.memory_space<hbm>>) target_semaphore(%arg6 : memref<!tpu.dma_semaphore, #tpu.memory_space<semaphore_mem>>)
    %add3A_65 = arith.constant 0 : i32
    %add3A_66 = arith.addi %mul3A_2, %add3A_65 : i32
    %dma_start3A_67 = arith.constant 2 : i32
    %dma_start3A_68 = arith.constant 0 : i32
    %dma_start3A_69 = arith.constant 0 : i32
    %dma_start3A_70 = tpu.memref_slice %arg4[%dma_start3A_68, %dma_start3A_69] : memref<256x256xf32, #tpu.memory_space<vmem>> -> memref<128x256xf32, #tpu.memory_space<vmem>>
    %dma_start3A_71 = arith.constant 0 : i32
    %dma_start3A_72 = tpu.memref_slice %arg3[%dma_start3A_67, %add3A_66, %dma_start3A_71] : memref<4x8192x256xf32, #tpu.memory_space<hbm>> -> memref<1x128x256xf32, #tpu.memory_space<hbm>>
    %dma_start3A_73 = tpu.memref_squeeze %dma_start3A_72 : memref<1x128x256xf32, #tpu.memory_space<hbm>> -> memref<128x256xf32, #tpu.memory_space<hbm>>
    %dma_start3A_74 = arith.constant 0 : i32
    %dma_start3A_75 = tpu.memref_slice %arg3[%dma_start3A_67, %add3A_66, %dma_start3A_74] : memref<4x8192x256xf32, #tpu.memory_space<hbm>> -> memref<1x128x256xf32, #tpu.memory_space<hbm>>
    %dma_start3A_76 = tpu.memref_squeeze %dma_start3A_75 : memref<1x128x256xf32, #tpu.memory_space<hbm>> -> memref<128x256xf32, #tpu.memory_space<hbm>>
    %dma_start3A_77 = arith.constant 0 : i32
    %dma_start3A_78 = arith.constant 0 : i32
    %dma_start3A_79 = tpu.memref_slice %arg4[%dma_start3A_77, %dma_start3A_78] : memref<256x256xf32, #tpu.memory_space<vmem>> -> memref<128x256xf32, #tpu.memory_space<vmem>>
    tpu.enqueue_dma source(%dma_start3A_79 : memref<128x256xf32, #tpu.memory_space<vmem>>) target(%dma_start3A_76 : memref<128x256xf32, #tpu.memory_space<hbm>>) target_semaphore(%arg6 : memref<!tpu.dma_semaphore, #tpu.memory_space<semaphore_mem>>)
    %add3A_80 = arith.constant 0 : i32
    %add3A_81 = arith.addi %mul3A_2, %add3A_80 : i32
    %dma_start3A_82 = arith.constant 3 : i32
    %dma_start3A_83 = arith.constant 0 : i32
    %dma_start3A_84 = arith.constant 0 : i32
    %dma_start3A_85 = tpu.memref_slice %arg4[%dma_start3A_83, %dma_start3A_84] : memref<256x256xf32, #tpu.memory_space<vmem>> -> memref<128x256xf32, #tpu.memory_space<vmem>>
    %dma_start3A_86 = arith.constant 0 : i32
    %dma_start3A_87 = tpu.memref_slice %arg3[%dma_start3A_82, %add3A_81, %dma_start3A_86] : memref<4x8192x256xf32, #tpu.memory_space<hbm>> -> memref<1x128x256xf32, #tpu.memory_space<hbm>>
    %dma_start3A_88 = tpu.memref_squeeze %dma_start3A_87 : memref<1x128x256xf32, #tpu.memory_space<hbm>> -> memref<128x256xf32, #tpu.memory_space<hbm>>
    %dma_start3A_89 = arith.constant 0 : i32
    %dma_start3A_90 = tpu.memref_slice %arg3[%dma_start3A_82, %add3A_81, %dma_start3A_89] : memref<4x8192x256xf32, #tpu.memory_space<hbm>> -> memref<1x128x256xf32, #tpu.memory_space<hbm>>
    %dma_start3A_91 = tpu.memref_squeeze %dma_start3A_90 : memref<1x128x256xf32, #tpu.memory_space<hbm>> -> memref<128x256xf32, #tpu.memory_space<hbm>>
    %dma_start3A_92 = arith.constant 0 : i32
    %dma_start3A_93 = arith.constant 0 : i32
    %dma_start3A_94 = tpu.memref_slice %arg4[%dma_start3A_92, %dma_start3A_93] : memref<256x256xf32, #tpu.memory_space<vmem>> -> memref<128x256xf32, #tpu.memory_space<vmem>>
    tpu.enqueue_dma source(%dma_start3A_94 : memref<128x256xf32, #tpu.memory_space<vmem>>) target(%dma_start3A_91 : memref<128x256xf32, #tpu.memory_space<hbm>>) target_semaphore(%arg6 : memref<!tpu.dma_semaphore, #tpu.memory_space<semaphore_mem>>)
    %dma_wait3A_95 = arith.constant 128 : i32
    %dma_wait3A_96 = arith.constant 0 : i32
    %dma_wait3A_97 = tpu.memref_slice %arg4[%dma_wait3A_95, %dma_wait3A_96] : memref<256x256xf32, #tpu.memory_space<vmem>> -> memref<128x256xf32, #tpu.memory_space<vmem>>
    %dma_wait3A_98 = arith.constant 0 : i32
    %dma_wait3A_99 = tpu.memref_slice %arg2[%add3A_15, %dma_wait3A_98] : memref<8192x256xf32, #tpu.memory_space<hbm>> -> memref<128x256xf32, #tpu.memory_space<hbm>>
    %dma_wait3A_100 = arith.constant 128 : i32
    %dma_wait3A_101 = arith.constant 0 : i32
    %dma_wait3A_102 = tpu.memref_slice %arg4[%dma_wait3A_100, %dma_wait3A_101] : memref<256x256xf32, #tpu.memory_space<vmem>> -> memref<128x256xf32, #tpu.memory_space<vmem>>
    %dma_wait3A_103 = arith.constant 0 : i32
    %dma_wait3A_104 = tpu.memref_slice %arg2[%add3A_15, %dma_wait3A_103] : memref<8192x256xf32, #tpu.memory_space<hbm>> -> memref<128x256xf32, #tpu.memory_space<hbm>>
    tpu.wait_dma2 semaphore(%arg5 : memref<!tpu.dma_semaphore, #tpu.memory_space<semaphore_mem>>) src(%dma_wait3A_104 : memref<128x256xf32, #tpu.memory_space<hbm>>) dst(%dma_wait3A_102 : memref<128x256xf32, #tpu.memory_space<vmem>>)
    %add3A_105 = arith.constant 128 : i32
    %add3A_106 = arith.addi %mul3A_2, %add3A_105 : i32
    %dma_start3A_107 = arith.constant 0 : i32
    %dma_start3A_108 = arith.constant 128 : i32
    %dma_start3A_109 = arith.constant 0 : i32
    %dma_start3A_110 = tpu.memref_slice %arg4[%dma_start3A_108, %dma_start3A_109] : memref<256x256xf32, #tpu.memory_space<vmem>> -> memref<128x256xf32, #tpu.memory_space<vmem>>
    %dma_start3A_111 = arith.constant 0 : i32
    %dma_start3A_112 = tpu.memref_slice %arg3[%dma_start3A_107, %add3A_106, %dma_start3A_111] : memref<4x8192x256xf32, #tpu.memory_space<hbm>> -> memref<1x128x256xf32, #tpu.memory_space<hbm>>
    %dma_start3A_113 = tpu.memref_squeeze %dma_start3A_112 : memref<1x128x256xf32, #tpu.memory_space<hbm>> -> memref<128x256xf32, #tpu.memory_space<hbm>>
    %dma_start3A_114 = arith.constant 0 : i32
    %dma_start3A_115 = tpu.memref_slice %arg3[%dma_start3A_107, %add3A_106, %dma_start3A_114] : memref<4x8192x256xf32, #tpu.memory_space<hbm>> -> memref<1x128x256xf32, #tpu.memory_space<hbm>>
    %dma_start3A_116 = tpu.memref_squeeze %dma_start3A_115 : memref<1x128x256xf32, #tpu.memory_space<hbm>> -> memref<128x256xf32, #tpu.memory_space<hbm>>
    %dma_start3A_117 = arith.constant 128 : i32
    %dma_start3A_118 = arith.constant 0 : i32
    %dma_start3A_119 = tpu.memref_slice %arg4[%dma_start3A_117, %dma_start3A_118] : memref<256x256xf32, #tpu.memory_space<vmem>> -> memref<128x256xf32, #tpu.memory_space<vmem>>
    tpu.enqueue_dma source(%dma_start3A_119 : memref<128x256xf32, #tpu.memory_space<vmem>>) target(%dma_start3A_116 : memref<128x256xf32, #tpu.memory_space<hbm>>) target_semaphore(%arg6 : memref<!tpu.dma_semaphore, #tpu.memory_space<semaphore_mem>>)
    %add3A_120 = arith.constant 128 : i32
    %add3A_121 = arith.addi %mul3A_2, %add3A_120 : i32
    %dma_start3A_122 = arith.constant 1 : i32
    %dma_start3A_123 = arith.constant 128 : i32
    %dma_start3A_124 = arith.constant 0 : i32
    %dma_start3A_125 = tpu.memref_slice %arg4[%dma_start3A_123, %dma_start3A_124] : memref<256x256xf32, #tpu.memory_space<vmem>> -> memref<128x256xf32, #tpu.memory_space<vmem>>
    %dma_start3A_126 = arith.constant 0 : i32
    %dma_start3A_127 = tpu.memref_slice %arg3[%dma_start3A_122, %add3A_121, %dma_start3A_126] : memref<4x8192x256xf32, #tpu.memory_space<hbm>> -> memref<1x128x256xf32, #tpu.memory_space<hbm>>
    %dma_start3A_128 = tpu.memref_squeeze %dma_start3A_127 : memref<1x128x256xf32, #tpu.memory_space<hbm>> -> memref<128x256xf32, #tpu.memory_space<hbm>>
    %dma_start3A_129 = arith.constant 0 : i32
    %dma_start3A_130 = tpu.memref_slice %arg3[%dma_start3A_122, %add3A_121, %dma_start3A_129] : memref<4x8192x256xf32, #tpu.memory_space<hbm>> -> memref<1x128x256xf32, #tpu.memory_space<hbm>>
    %dma_start3A_131 = tpu.memref_squeeze %dma_start3A_130 : memref<1x128x256xf32, #tpu.memory_space<hbm>> -> memref<128x256xf32, #tpu.memory_space<hbm>>
    %dma_start3A_132 = arith.constant 128 : i32
    %dma_start3A_133 = arith.constant 0 : i32
    %dma_start3A_134 = tpu.memref_slice %arg4[%dma_start3A_132, %dma_start3A_133] : memref<256x256xf32, #tpu.memory_space<vmem>> -> memref<128x256xf32, #tpu.memory_space<vmem>>
    tpu.enqueue_dma source(%dma_start3A_134 : memref<128x256xf32, #tpu.memory_space<vmem>>) target(%dma_start3A_131 : memref<128x256xf32, #tpu.memory_space<hbm>>) target_semaphore(%arg6 : memref<!tpu.dma_semaphore, #tpu.memory_space<semaphore_mem>>)
    %add3A_135 = arith.constant 128 : i32
    %add3A_136 = arith.addi %mul3A_2, %add3A_135 : i32
    %dma_start3A_137 = arith.constant 2 : i32
    %dma_start3A_138 = arith.constant 128 : i32
    %dma_start3A_139 = arith.constant 0 : i32
    %dma_start3A_140 = tpu.memref_slice %arg4[%dma_start3A_138, %dma_start3A_139] : memref<256x256xf32, #tpu.memory_space<vmem>> -> memref<128x256xf32, #tpu.memory_space<vmem>>
    %dma_start3A_141 = arith.constant 0 : i32
    %dma_start3A_142 = tpu.memref_slice %arg3[%dma_start3A_137, %add3A_136, %dma_start3A_141] : memref<4x8192x256xf32, #tpu.memory_space<hbm>> -> memref<1x128x256xf32, #tpu.memory_space<hbm>>
    %dma_start3A_143 = tpu.memref_squeeze %dma_start3A_142 : memref<1x128x256xf32, #tpu.memory_space<hbm>> -> memref<128x256xf32, #tpu.memory_space<hbm>>
    %dma_start3A_144 = arith.constant 0 : i32
    %dma_start3A_145 = tpu.memref_slice %arg3[%dma_start3A_137, %add3A_136, %dma_start3A_144] : memref<4x8192x256xf32, #tpu.memory_space<hbm>> -> memref<1x128x256xf32, #tpu.memory_space<hbm>>
    %dma_start3A_146 = tpu.memref_squeeze %dma_start3A_145 : memref<1x128x256xf32, #tpu.memory_space<hbm>> -> memref<128x256xf32, #tpu.memory_space<hbm>>
    %dma_start3A_147 = arith.constant 128 : i32
    %dma_start3A_148 = arith.constant 0 : i32
    %dma_start3A_149 = tpu.memref_slice %arg4[%dma_start3A_147, %dma_start3A_148] : memref<256x256xf32, #tpu.memory_space<vmem>> -> memref<128x256xf32, #tpu.memory_space<vmem>>
    tpu.enqueue_dma source(%dma_start3A_149 : memref<128x256xf32, #tpu.memory_space<vmem>>) target(%dma_start3A_146 : memref<128x256xf32, #tpu.memory_space<hbm>>) target_semaphore(%arg6 : memref<!tpu.dma_semaphore, #tpu.memory_space<semaphore_mem>>)
    %add3A_150 = arith.constant 128 : i32
    %add3A_151 = arith.addi %mul3A_2, %add3A_150 : i32
    %dma_start3A_152 = arith.constant 3 : i32
    %dma_start3A_153 = arith.constant 128 : i32
    %dma_start3A_154 = arith.constant 0 : i32
    %dma_start3A_155 = tpu.memref_slice %arg4[%dma_start3A_153, %dma_start3A_154] : memref<256x256xf32, #tpu.memory_space<vmem>> -> memref<128x256xf32, #tpu.memory_space<vmem>>
    %dma_start3A_156 = arith.constant 0 : i32
    %dma_start3A_157 = tpu.memref_slice %arg3[%dma_start3A_152, %add3A_151, %dma_start3A_156] : memref<4x8192x256xf32, #tpu.memory_space<hbm>> -> memref<1x128x256xf32, #tpu.memory_space<hbm>>
    %dma_start3A_158 = tpu.memref_squeeze %dma_start3A_157 : memref<1x128x256xf32, #tpu.memory_space<hbm>> -> memref<128x256xf32, #tpu.memory_space<hbm>>
    %dma_start3A_159 = arith.constant 0 : i32
    %dma_start3A_160 = tpu.memref_slice %arg3[%dma_start3A_152, %add3A_151, %dma_start3A_159] : memref<4x8192x256xf32, #tpu.memory_space<hbm>> -> memref<1x128x256xf32, #tpu.memory_space<hbm>>
    %dma_start3A_161 = tpu.memref_squeeze %dma_start3A_160 : memref<1x128x256xf32, #tpu.memory_space<hbm>> -> memref<128x256xf32, #tpu.memory_space<hbm>>
    %dma_start3A_162 = arith.constant 128 : i32
    %dma_start3A_163 = arith.constant 0 : i32
    %dma_start3A_164 = tpu.memref_slice %arg4[%dma_start3A_162, %dma_start3A_163] : memref<256x256xf32, #tpu.memory_space<vmem>> -> memref<128x256xf32, #tpu.memory_space<vmem>>
    tpu.enqueue_dma source(%dma_start3A_164 : memref<128x256xf32, #tpu.memory_space<vmem>>) target(%dma_start3A_161 : memref<128x256xf32, #tpu.memory_space<hbm>>) target_semaphore(%arg6 : memref<!tpu.dma_semaphore, #tpu.memory_space<semaphore_mem>>)
    %dma_wait3A_165 = arith.constant 0 : i32
    %dma_wait3A_166 = arith.constant 0 : i32
    %dma_wait3A_167 = arith.constant 0 : i32
    %dma_wait3A_168 = tpu.memref_slice %arg4[%dma_wait3A_166, %dma_wait3A_167] : memref<256x256xf32, #tpu.memory_space<vmem>> -> memref<128x256xf32, #tpu.memory_space<vmem>>
    %dma_wait3A_169 = arith.constant 0 : i32
    %dma_wait3A_170 = tpu.memref_slice %arg3[%dma_wait3A_165, %add3A_36, %dma_wait3A_169] : memref<4x8192x256xf32, #tpu.memory_space<hbm>> -> memref<1x128x256xf32, #tpu.memory_space<hbm>>
    %dma_wait3A_171 = tpu.memref_squeeze %dma_wait3A_170 : memref<1x128x256xf32, #tpu.memory_space<hbm>> -> memref<128x256xf32, #tpu.memory_space<hbm>>
    %dma_wait3A_172 = arith.constant 0 : i32
    %dma_wait3A_173 = tpu.memref_slice %arg3[%dma_wait3A_165, %add3A_36, %dma_wait3A_172] : memref<4x8192x256xf32, #tpu.memory_space<hbm>> -> memref<1x128x256xf32, #tpu.memory_space<hbm>>
    %dma_wait3A_174 = tpu.memref_squeeze %dma_wait3A_173 : memref<1x128x256xf32, #tpu.memory_space<hbm>> -> memref<128x256xf32, #tpu.memory_space<hbm>>
    %dma_wait3A_175 = arith.constant 0 : i32
    %dma_wait3A_176 = arith.constant 0 : i32
    %dma_wait3A_177 = tpu.memref_slice %arg4[%dma_wait3A_175, %dma_wait3A_176] : memref<256x256xf32, #tpu.memory_space<vmem>> -> memref<128x256xf32, #tpu.memory_space<vmem>>
    tpu.wait_dma2 semaphore(%arg6 : memref<!tpu.dma_semaphore, #tpu.memory_space<semaphore_mem>>) src(%dma_wait3A_177 : memref<128x256xf32, #tpu.memory_space<vmem>>) dst(%dma_wait3A_174 : memref<128x256xf32, #tpu.memory_space<hbm>>)
    %dma_wait3A_178 = arith.constant 1 : i32
    %dma_wait3A_179 = arith.constant 0 : i32
    %dma_wait3A_180 = arith.constant 0 : i32
    %dma_wait3A_181 = tpu.memref_slice %arg4[%dma_wait3A_179, %dma_wait3A_180] : memref<256x256xf32, #tpu.memory_space<vmem>> -> memref<128x256xf32, #tpu.memory_space<vmem>>
    %dma_wait3A_182 = arith.constant 0 : i32
    %dma_wait3A_183 = tpu.memref_slice %arg3[%dma_wait3A_178, %add3A_51, %dma_wait3A_182] : memref<4x8192x256xf32, #tpu.memory_space<hbm>> -> memref<1x128x256xf32, #tpu.memory_space<hbm>>
    %dma_wait3A_184 = tpu.memref_squeeze %dma_wait3A_183 : memref<1x128x256xf32, #tpu.memory_space<hbm>> -> memref<128x256xf32, #tpu.memory_space<hbm>>
    %dma_wait3A_185 = arith.constant 0 : i32
    %dma_wait3A_186 = tpu.memref_slice %arg3[%dma_wait3A_178, %add3A_51, %dma_wait3A_185] : memref<4x8192x256xf32, #tpu.memory_space<hbm>> -> memref<1x128x256xf32, #tpu.memory_space<hbm>>
    %dma_wait3A_187 = tpu.memref_squeeze %dma_wait3A_186 : memref<1x128x256xf32, #tpu.memory_space<hbm>> -> memref<128x256xf32, #tpu.memory_space<hbm>>
    %dma_wait3A_188 = arith.constant 0 : i32
    %dma_wait3A_189 = arith.constant 0 : i32
    %dma_wait3A_190 = tpu.memref_slice %arg4[%dma_wait3A_188, %dma_wait3A_189] : memref<256x256xf32, #tpu.memory_space<vmem>> -> memref<128x256xf32, #tpu.memory_space<vmem>>
    tpu.wait_dma2 semaphore(%arg6 : memref<!tpu.dma_semaphore, #tpu.memory_space<semaphore_mem>>) src(%dma_wait3A_190 : memref<128x256xf32, #tpu.memory_space<vmem>>) dst(%dma_wait3A_187 : memref<128x256xf32, #tpu.memory_space<hbm>>)
    %dma_wait3A_191 = arith.constant 2 : i32
    %dma_wait3A_192 = arith.constant 0 : i32
    %dma_wait3A_193 = arith.constant 0 : i32
    %dma_wait3A_194 = tpu.memref_slice %arg4[%dma_wait3A_192, %dma_wait3A_193] : memref<256x256xf32, #tpu.memory_space<vmem>> -> memref<128x256xf32, #tpu.memory_space<vmem>>
    %dma_wait3A_195 = arith.constant 0 : i32
    %dma_wait3A_196 = tpu.memref_slice %arg3[%dma_wait3A_191, %add3A_66, %dma_wait3A_195] : memref<4x8192x256xf32, #tpu.memory_space<hbm>> -> memref<1x128x256xf32, #tpu.memory_space<hbm>>
    %dma_wait3A_197 = tpu.memref_squeeze %dma_wait3A_196 : memref<1x128x256xf32, #tpu.memory_space<hbm>> -> memref<128x256xf32, #tpu.memory_space<hbm>>
    %dma_wait3A_198 = arith.constant 0 : i32
    %dma_wait3A_199 = tpu.memref_slice %arg3[%dma_wait3A_191, %add3A_66, %dma_wait3A_198] : memref<4x8192x256xf32, #tpu.memory_space<hbm>> -> memref<1x128x256xf32, #tpu.memory_space<hbm>>
    %dma_wait3A_200 = tpu.memref_squeeze %dma_wait3A_199 : memref<1x128x256xf32, #tpu.memory_space<hbm>> -> memref<128x256xf32, #tpu.memory_space<hbm>>
    %dma_wait3A_201 = arith.constant 0 : i32
    %dma_wait3A_202 = arith.constant 0 : i32
    %dma_wait3A_203 = tpu.memref_slice %arg4[%dma_wait3A_201, %dma_wait3A_202] : memref<256x256xf32, #tpu.memory_space<vmem>> -> memref<128x256xf32, #tpu.memory_space<vmem>>
    tpu.wait_dma2 semaphore(%arg6 : memref<!tpu.dma_semaphore, #tpu.memory_space<semaphore_mem>>) src(%dma_wait3A_203 : memref<128x256xf32, #tpu.memory_space<vmem>>) dst(%dma_wait3A_200 : memref<128x256xf32, #tpu.memory_space<hbm>>)
    %dma_wait3A_204 = arith.constant 3 : i32
    %dma_wait3A_205 = arith.constant 0 : i32
    %dma_wait3A_206 = arith.constant 0 : i32
    %dma_wait3A_207 = tpu.memref_slice %arg4[%dma_wait3A_205, %dma_wait3A_206] : memref<256x256xf32, #tpu.memory_space<vmem>> -> memref<128x256xf32, #tpu.memory_space<vmem>>
    %dma_wait3A_208 = arith.constant 0 : i32
    %dma_wait3A_209 = tpu.memref_slice %arg3[%dma_wait3A_204, %add3A_81, %dma_wait3A_208] : memref<4x8192x256xf32, #tpu.memory_space<hbm>> -> memref<1x128x256xf32, #tpu.memory_space<hbm>>
    %dma_wait3A_210 = tpu.memref_squeeze %dma_wait3A_209 : memref<1x128x256xf32, #tpu.memory_space<hbm>> -> memref<128x256xf32, #tpu.memory_space<hbm>>
    %dma_wait3A_211 = arith.constant 0 : i32
    %dma_wait3A_212 = tpu.memref_slice %arg3[%dma_wait3A_204, %add3A_81, %dma_wait3A_211] : memref<4x8192x256xf32, #tpu.memory_space<hbm>> -> memref<1x128x256xf32, #tpu.memory_space<hbm>>
    %dma_wait3A_213 = tpu.memref_squeeze %dma_wait3A_212 : memref<1x128x256xf32, #tpu.memory_space<hbm>> -> memref<128x256xf32, #tpu.memory_space<hbm>>
    %dma_wait3A_214 = arith.constant 0 : i32
    %dma_wait3A_215 = arith.constant 0 : i32
    %dma_wait3A_216 = tpu.memref_slice %arg4[%dma_wait3A_214, %dma_wait3A_215] : memref<256x256xf32, #tpu.memory_space<vmem>> -> memref<128x256xf32, #tpu.memory_space<vmem>>
    tpu.wait_dma2 semaphore(%arg6 : memref<!tpu.dma_semaphore, #tpu.memory_space<semaphore_mem>>) src(%dma_wait3A_216 : memref<128x256xf32, #tpu.memory_space<vmem>>) dst(%dma_wait3A_213 : memref<128x256xf32, #tpu.memory_space<hbm>>)
    %dma_wait3A_217 = arith.constant 0 : i32
    %dma_wait3A_218 = arith.constant 128 : i32
    %dma_wait3A_219 = arith.constant 0 : i32
    %dma_wait3A_220 = tpu.memref_slice %arg4[%dma_wait3A_218, %dma_wait3A_219] : memref<256x256xf32, #tpu.memory_space<vmem>> -> memref<128x256xf32, #tpu.memory_space<vmem>>
    %dma_wait3A_221 = arith.constant 0 : i32
    %dma_wait3A_222 = tpu.memref_slice %arg3[%dma_wait3A_217, %add3A_106, %dma_wait3A_221] : memref<4x8192x256xf32, #tpu.memory_space<hbm>> -> memref<1x128x256xf32, #tpu.memory_space<hbm>>
    %dma_wait3A_223 = tpu.memref_squeeze %dma_wait3A_222 : memref<1x128x256xf32, #tpu.memory_space<hbm>> -> memref<128x256xf32, #tpu.memory_space<hbm>>
    %dma_wait3A_224 = arith.constant 0 : i32
    %dma_wait3A_225 = tpu.memref_slice %arg3[%dma_wait3A_217, %add3A_106, %dma_wait3A_224] : memref<4x8192x256xf32, #tpu.memory_space<hbm>> -> memref<1x128x256xf32, #tpu.memory_space<hbm>>
    %dma_wait3A_226 = tpu.memref_squeeze %dma_wait3A_225 : memref<1x128x256xf32, #tpu.memory_space<hbm>> -> memref<128x256xf32, #tpu.memory_space<hbm>>
    %dma_wait3A_227 = arith.constant 128 : i32
    %dma_wait3A_228 = arith.constant 0 : i32
    %dma_wait3A_229 = tpu.memref_slice %arg4[%dma_wait3A_227, %dma_wait3A_228] : memref<256x256xf32, #tpu.memory_space<vmem>> -> memref<128x256xf32, #tpu.memory_space<vmem>>
    tpu.wait_dma2 semaphore(%arg6 : memref<!tpu.dma_semaphore, #tpu.memory_space<semaphore_mem>>) src(%dma_wait3A_229 : memref<128x256xf32, #tpu.memory_space<vmem>>) dst(%dma_wait3A_226 : memref<128x256xf32, #tpu.memory_space<hbm>>)
    %dma_wait3A_230 = arith.constant 1 : i32
    %dma_wait3A_231 = arith.constant 128 : i32
    %dma_wait3A_232 = arith.constant 0 : i32
    %dma_wait3A_233 = tpu.memref_slice %arg4[%dma_wait3A_231, %dma_wait3A_232] : memref<256x256xf32, #tpu.memory_space<vmem>> -> memref<128x256xf32, #tpu.memory_space<vmem>>
    %dma_wait3A_234 = arith.constant 0 : i32
    %dma_wait3A_235 = tpu.memref_slice %arg3[%dma_wait3A_230, %add3A_121, %dma_wait3A_234] : memref<4x8192x256xf32, #tpu.memory_space<hbm>> -> memref<1x128x256xf32, #tpu.memory_space<hbm>>
    %dma_wait3A_236 = tpu.memref_squeeze %dma_wait3A_235 : memref<1x128x256xf32, #tpu.memory_space<hbm>> -> memref<128x256xf32, #tpu.memory_space<hbm>>
    %dma_wait3A_237 = arith.constant 0 : i32
    %dma_wait3A_238 = tpu.memref_slice %arg3[%dma_wait3A_230, %add3A_121, %dma_wait3A_237] : memref<4x8192x256xf32, #tpu.memory_space<hbm>> -> memref<1x128x256xf32, #tpu.memory_space<hbm>>
    %dma_wait3A_239 = tpu.memref_squeeze %dma_wait3A_238 : memref<1x128x256xf32, #tpu.memory_space<hbm>> -> memref<128x256xf32, #tpu.memory_space<hbm>>
    %dma_wait3A_240 = arith.constant 128 : i32
    %dma_wait3A_241 = arith.constant 0 : i32
    %dma_wait3A_242 = tpu.memref_slice %arg4[%dma_wait3A_240, %dma_wait3A_241] : memref<256x256xf32, #tpu.memory_space<vmem>> -> memref<128x256xf32, #tpu.memory_space<vmem>>
    tpu.wait_dma2 semaphore(%arg6 : memref<!tpu.dma_semaphore, #tpu.memory_space<semaphore_mem>>) src(%dma_wait3A_242 : memref<128x256xf32, #tpu.memory_space<vmem>>) dst(%dma_wait3A_239 : memref<128x256xf32, #tpu.memory_space<hbm>>)
    %dma_wait3A_243 = arith.constant 2 : i32
    %dma_wait3A_244 = arith.constant 128 : i32
    %dma_wait3A_245 = arith.constant 0 : i32
    %dma_wait3A_246 = tpu.memref_slice %arg4[%dma_wait3A_244, %dma_wait3A_245] : memref<256x256xf32, #tpu.memory_space<vmem>> -> memref<128x256xf32, #tpu.memory_space<vmem>>
    %dma_wait3A_247 = arith.constant 0 : i32
    %dma_wait3A_248 = tpu.memref_slice %arg3[%dma_wait3A_243, %add3A_136, %dma_wait3A_247] : memref<4x8192x256xf32, #tpu.memory_space<hbm>> -> memref<1x128x256xf32, #tpu.memory_space<hbm>>
    %dma_wait3A_249 = tpu.memref_squeeze %dma_wait3A_248 : memref<1x128x256xf32, #tpu.memory_space<hbm>> -> memref<128x256xf32, #tpu.memory_space<hbm>>
    %dma_wait3A_250 = arith.constant 0 : i32
    %dma_wait3A_251 = tpu.memref_slice %arg3[%dma_wait3A_243, %add3A_136, %dma_wait3A_250] : memref<4x8192x256xf32, #tpu.memory_space<hbm>> -> memref<1x128x256xf32, #tpu.memory_space<hbm>>
    %dma_wait3A_252 = tpu.memref_squeeze %dma_wait3A_251 : memref<1x128x256xf32, #tpu.memory_space<hbm>> -> memref<128x256xf32, #tpu.memory_space<hbm>>
    %dma_wait3A_253 = arith.constant 128 : i32
    %dma_wait3A_254 = arith.constant 0 : i32
    %dma_wait3A_255 = tpu.memref_slice %arg4[%dma_wait3A_253, %dma_wait3A_254] : memref<256x256xf32, #tpu.memory_space<vmem>> -> memref<128x256xf32, #tpu.memory_space<vmem>>
    tpu.wait_dma2 semaphore(%arg6 : memref<!tpu.dma_semaphore, #tpu.memory_space<semaphore_mem>>) src(%dma_wait3A_255 : memref<128x256xf32, #tpu.memory_space<vmem>>) dst(%dma_wait3A_252 : memref<128x256xf32, #tpu.memory_space<hbm>>)
    %dma_wait3A_256 = arith.constant 3 : i32
    %dma_wait3A_257 = arith.constant 128 : i32
    %dma_wait3A_258 = arith.constant 0 : i32
    %dma_wait3A_259 = tpu.memref_slice %arg4[%dma_wait3A_257, %dma_wait3A_258] : memref<256x256xf32, #tpu.memory_space<vmem>> -> memref<128x256xf32, #tpu.memory_space<vmem>>
    %dma_wait3A_260 = arith.constant 0 : i32
    %dma_wait3A_261 = tpu.memref_slice %arg3[%dma_wait3A_256, %add3A_151, %dma_wait3A_260] : memref<4x8192x256xf32, #tpu.memory_space<hbm>> -> memref<1x128x256xf32, #tpu.memory_space<hbm>>
    %dma_wait3A_262 = tpu.memref_squeeze %dma_wait3A_261 : memref<1x128x256xf32, #tpu.memory_space<hbm>> -> memref<128x256xf32, #tpu.memory_space<hbm>>
    %dma_wait3A_263 = arith.constant 0 : i32
    %dma_wait3A_264 = tpu.memref_slice %arg3[%dma_wait3A_256, %add3A_151, %dma_wait3A_263] : memref<4x8192x256xf32, #tpu.memory_space<hbm>> -> memref<1x128x256xf32, #tpu.memory_space<hbm>>
    %dma_wait3A_265 = tpu.memref_squeeze %dma_wait3A_264 : memref<1x128x256xf32, #tpu.memory_space<hbm>> -> memref<128x256xf32, #tpu.memory_space<hbm>>
    %dma_wait3A_266 = arith.constant 128 : i32
    %dma_wait3A_267 = arith.constant 0 : i32
    %dma_wait3A_268 = tpu.memref_slice %arg4[%dma_wait3A_266, %dma_wait3A_267] : memref<256x256xf32, #tpu.memory_space<vmem>> -> memref<128x256xf32, #tpu.memory_space<vmem>>
    tpu.wait_dma2 semaphore(%arg6 : memref<!tpu.dma_semaphore, #tpu.memory_space<semaphore_mem>>) src(%dma_wait3A_268 : memref<128x256xf32, #tpu.memory_space<vmem>>) dst(%dma_wait3A_265 : memref<128x256xf32, #tpu.memory_space<hbm>>)
    return
  }
}

</mosaic_0001>

<sc_bundles>
// kernel: kernel.3.cloned.1.call-start
scs
__scs_entry_jumppad:
0x0: {  	(pc) =	sbr.rel $0x88, $3  }
0x1: {  	(tag) =	ssettag $0x0;
	lr =	simm.s32 $0x1  }
0x2: {  	[smem:$0x3FA0] =	sst lr;
	_ =	strace $0xD0000000  }
0x3: {  	_ = 	snop  }
0x4: {  	_ = 	snop  }
0x5: {  	_ = 	snop  }
0x6: {  	_ = 	snop  }
0x7: {  	_ = 	snop  }
__scs_overlays_trampoline_lowered:
0x8: {  	[smem:$0x3FAF] =	sst s0  }
0x9: {  	[smem:$0x3FB0] =	sst s1  }
0xa: {  	[smem:$0x3FB1] =	sst s2  }
0xb: {  	[smem:$0x3FB2] =	sst s3  }
0xc: {  	[smem:$0x3FB3] =	sst s4  }
0xd: {  	[smem:$0x3FB4] =	sst s5  }
0xe: {  	[smem:$0x3FB5] =	sst s6  }
0xf: {  	[smem:$0x3FB6] =	sst s7  }
0x10: {  	[smem:$0x3FB7] =	sst s8  }
0x11: {  	[smem:$0x3FB8] =	sst s9;
	s0 =	simm.s32 @!p0 $0x0  }
0x12: {  	s1 =	sld [smem:$0x3F9E];
	s0 =	simm.s32 @p0 $0x1  }
0x13: {  	[smem:$0x3FB9] =	sst s0;
	s0 =	simm.s32 @!p1 $0x0  }
0x14: {  	s2 =	sld [smem:$0x3F9D];
	s0 =	simm.s32 @p1 $0x1  }
0x15: {  	[smem:$0x3FBA] =	sst s0;
	s0 =	simm.s32 @!p2 $0x0  }
0x16: {  	s3 =	sld [smem:$0x3FDB];
	s0 =	simm.s32 @p2 $0x1  }
0x17: {  	s4 =	simm.s32 $0x1BF5;
	[smem:$0x3FBC] =	sst s0  }
0x18: {  	s0 =	sld [smem:$0x3F9F];
	_ =	swait.ge [sflag:s4], $0x0  }
0x19: {  	s7 =	sld [smem:$0x3FA0]  }
0x1a: {  	s8 =	sadd.s32 $0xFFFFE003, lr  }
0x1b: {  	s9 =	sadd.s32 $0xFFFFFEF7, lr;
	s5 =	simm.s32 $0xFFFFFFFF;
	p2 =	slt.u32 s8, $0xFFFFF086  }
0x1c: {  	p1 =	slt.u32 s9, $0xF7A;
	s5 =	simm.s32 @!p2 $0x0  }
0x1d: {  	s5 =	simm.s32 @p1 $0x1;
	p0 =	seq.s32 s7, s2  }
0x1e: {  	s7 =	smul.u32 @!p0 $0xF7A, s2;
	p2 =	seq.s32 @!p0 s5, $0x0  }
0x1f: {  	s9 =	smul.u32 $0xF7A, s1;
	s8 =	simm.s32 @!p0 $0x1BF5;
	p2 =	por !p2, p0  }
0x20: {  	[sflag:s8] =	ssyncset.s32 @!p0 $0xFFFFF086;
	s6 =	sadd.s32 @!p0 s3, s7;
	s7 =	simm.s32 @!p0 $0x108  }
0x21: {  	s3 =	sadd.s32 s3, s9;
	s6 =	sadd.s32 @!p0 $0x88, s6;
	s7 =	simm.s32 @p2 $0x1082  }
0x22: {  	[simem:s7], [sflag:s8] =	dma.local @!p0 [hbm:s6], $0xF7A  }
0x23: {  	s9 =	sor.u32 $0xD0000000, s2;
	s6 =	simm.s32 $0x108;
	_ =	swait.ge @!p0 [sflag:s8], $0x0  }
0x24: {  	s3 =	sadd.s32 $0x88, s3;
	s6 =	simm.s32 @!p1 $0x1082;
	[sflag:s4] =	ssyncset.s32 $0xFFFFF086  }
0x25: {  	[simem:s6], [sflag:s4] =	dma.local [hbm:s3], $0xF7A  }
0x26: {  	[smem:$0x3FA0] =	sst s1;
	(tag) =	ssettag s2;
	_ =	strace s9  }
0x27: {  	s1 =	sld [smem:$0x3FB0]  }
0x28: {  	s2 =	sld [smem:$0x3FB1]  }
0x29: {  	s4 =	sld [smem:$0x3FB3]  }
0x2a: {  	p0 =	seq.s32 s5, $0x0;
	s5 =	sld [smem:$0x3FB4]  }
0x2b: {  	s6 =	sld [smem:$0x3FB5]  }
0x2c: {  	s7 =	sld [smem:$0x3FB6]  }
0x2d: {  	s3 =	simm.s32 $0x108;
	s8 =	sld [smem:$0x3FB7]  }
0x2e: {  	s3 =	simm.s32 @!p0 $0x1082;
	s9 =	sld [smem:$0x3FB8]  }
0x2f: {  	lr =	sadd.s32 s0, s3;
	s0 =	sld [smem:$0x3FAF]  }
0x30: {  	s3 =	sld [smem:$0x3FB2]  }
0x31: {  	[smem:$0x3FBB] =	sst s10  }
0x32: {  	s10 =	sld [smem:$0x3FB9];
	_ =	sdelay $0x3  }
0x33: {  	p0 =	seq.s32 s10, $0x1;
	s10 =	sld [smem:$0x3FBB];
	_ =	sdelay $0x3  }
0x34: {  	[smem:$0x3FBB] =	sst s10  }
0x35: {  	s10 =	sld [smem:$0x3FBA];
	_ =	sdelay $0x3  }
0x36: {  	p1 =	seq.s32 s10, $0x1;
	s10 =	sld [smem:$0x3FBB];
	_ =	sdelay $0x3  }
0x37: {  	[smem:$0x3FBB] =	sst s10  }
0x38: {  	s10 =	sld [smem:$0x3FBC]  }
0x39: {  	_ = 	snop;
	(pc) =	sbr.ind lr, $3  }
0x3a: {  	_ = 	snop  }
0x3b: {  	_ = 	snop  }
0x3c: {  	p2 =	seq.s32 s10, $0x1;
	s10 =	sld [smem:$0x3FBB]  }
0x3d: {  	_ =	shalt  }
0x3e: {  	_ =	shalt  }
0x3f: {  	_ =	shalt  }
0x40: {  	_ =	shalt  }
0x41: {  	_ =	shalt  }
0x42: {  	_ =	shalt  }
0x43: {  	_ =	shalt  }
0x44: {  	_ =	shalt  }
0x45: {  	_ =	shalt  }
0x46: {  	_ =	shalt  }
0x47: {  	_ =	shalt  }
0x48: {  	_ =	shalt  }
0x49: {  	_ =	shalt  }
0x4a: {  	_ =	shalt  }
0x4b: {  	_ =	shalt  }
0x4c: {  	_ =	shalt  }
0x4d: {  	_ =	shalt  }
0x4e: {  	_ =	shalt  }
0x4f: {  	_ =	shalt  }
0x50: {  	_ =	shalt  }
0x51: {  	_ =	shalt  }
0x52: {  	_ =	shalt  }
0x53: {  	_ =	shalt  }
0x54: {  	_ =	shalt  }
0x55: {  	_ =	shalt  }
0x56: {  	_ =	shalt  }
0x57: {  	_ =	shalt  }
0x58: {  	_ =	shalt  }
0x59: {  	_ =	shalt  }
0x5a: {  	_ =	shalt  }
0x5b: {  	_ =	shalt  }
0x5c: {  	_ =	shalt  }
0x5d: {  	_ =	shalt  }
0x5e: {  	_ =	shalt  }
0x5f: {  	_ =	shalt  }
0x60: {  	_ =	shalt  }
0x61: {  	_ =	shalt  }
0x62: {  	_ =	shalt  }
0x63: {  	_ =	shalt  }
0x64: {  	_ =	shalt  }
0x65: {  	_ =	shalt  }
0x66: {  	_ =	shalt  }
0x67: {  	_ =	shalt  }
0x68: {  	_ =	shalt  }
0x69: {  	_ =	shalt  }
0x6a: {  	_ =	shalt  }
0x6b: {  	_ =	shalt  }
0x6c: {  	_ =	shalt  }
0x6d: {  	_ =	shalt  }
0x6e: {  	_ =	shalt  }
0x6f: {  	_ =	shalt  }
0x70: {  	_ =	shalt  }
0x71: {  	_ =	shalt  }
0x72: {  	_ =	shalt  }
0x73: {  	_ =	shalt  }
0x74: {  	_ =	shalt  }
0x75: {  	_ =	shalt  }
0x76: {  	_ =	shalt  }
0x77: {  	_ =	shalt  }
0x78: {  	_ =	shalt  }
0x79: {  	_ =	shalt  }
0x7a: {  	_ =	shalt  }
0x7b: {  	_ =	shalt  }
0x7c: {  	_ =	shalt  }
0x7d: {  	_ =	shalt  }
0x7e: {  	_ =	shalt  }
0x7f: {  	_ =	shalt  }
0x80: {  	_ =	shalt  }
0x81: {  	_ =	shalt  }
0x82: {  	_ =	shalt  }
0x83: {  	_ =	shalt  }
0x84: {  	_ =	shalt  }
0x85: {  	_ =	shalt  }
0x86: {  	_ =	shalt  }
0x87: {  	_ =	shalt  }
.Lfunc_end0:
.L_simem_size_0:
called_computation_lowered:
.L_overlay_start_0:
0x88: {  	s2 =	sld [smem:$0x3FD9]  }
0x89: {  	s3 =	sld [smem:$0x3FFE];
	_ =	sdelay $0x1  }
0x8a: {  	s1 =	srdreg.scid  }
0x8b: {  	s0 =	sand.u32 $0x1, s1  }
0x8c: {  	s18 =	sshll.u32 s0, $0xA;
	s2 =	sadd.s32 s3, s2  }
0x8d: {  	s2 =	sadd.s32 s2, s18  }
0x8e: {  	[smem:$0x3FC7] =	sst s2  }
0x8f: {  	_ = 	snop  }
0x90: {  	s2 =	sld [smem:$0x3FC9]  }
0x91: {  	s19 =	sld [smem:$0x3FD0];
	(tm) =	ssettm $0x1  }
0x92: {  	s4 =	sld [smem:$0x3FFB];
	_ =	sdelay $0x3  }
0x93: {  	_ =	strace s4  }
0x94: {  	s4 =	sld [smem:$0x3FFC];
	_ =	sdelay $0x3  }
0x95: {  	_ =	strace s4  }
0x96: {  	s4 =	sld [smem:$0x3FFD];
	_ =	sdelay $0x3  }
0x97: {  	_ =	strace s4  }
0x98: {  	_ =	strace $0x8FFFFFFF  }
0x99: {  	s20 =	sld [smem:$0x3FDB];
	_ =	sdelay $0x1  }
0x9a: {  	s5 =	simm.s32 $_scs_section_size  }
0x9b: {  	s6 =	simm.s32 $_size__tile_overlayer_lowered;
	s7 =	simm.s32 $_tile_overlayer_lowered  }
0x9c: {  	s23 =	simm.s32 $0x1BFF;
	s22 =	sshll.u32 s7, $0x1;
	s4 =	sadd.s32 s5, s20  }
0x9d: {  	s8 =	simm.s32 $0x0;
	s21 =	sshll.u32 s6, $0x1;
	s6 =	sadd.s32 s22, s4  }
0x9e: {  	[timem:s8], [sflag:s23] =	dma.local [hbm:s6], s21  }
0x9f: {  	_ =	swait.ge [sflag:s23], s21  }
0xa0: {  	s5 =	ssub.s32 $0x0, s21;
	[sflag:s23] =	ssyncset.done $0x0  }
0xa1: {  	[sflag:s23] =	ssyncadd.s32 s5;
	_ =	sdelay $0x1  }
0xa2: {  	s24 =	simm.s32 $0x1B8B  }
0xa3: {  	_ =	swait.ge [sflag:s24], $0x1  }
0xa4: {  	[sflag:s24] =	ssyncset.done $0x0  }
0xa5: {  	s25 =	simm.s32 $0x1B8E;
	[sflag:s24] =	ssyncadd.s32 $0xFFFFFFFF  }
0xa6: {  	s26 =	simm.s32 $execute0_lowered;
	[smem:$0x3FD2] =	sst s25  }
0xa7: {  	s5 =	sshll.u32 s26, $0x1;
	_ =	strace $0x80000046;
	[dreg:$0x1] =	wrdreg $0xFFFFFFFF  }
0xa8: {  	s28 =	simm.s32 $_size_execute0_lowered;
	s4 =	sadd.s32 s4, s5;
	[dreg:$0x0] =	wrdreg $0x0  }
0xa9: {  	s5 =	sshll.u32 s28, $0x1;
	[dreg:$0x2] =	wrdreg s4  }
0xaa: {  	[dreg:$0x3] =	wrdreg s5  }
0xab: {  	[dreg:$0x4] =	wrdreg $0xC0  }
0xac: {  	_ =	task [dreg:s8], $0x5FFFF  }
0xad: {  	[dreg:$0x1] =	wrdreg $0xFFFFFFFF  }
0xae: {  	[dreg:$0x0] =	wrdreg $0x60  }
0xaf: {  	[dreg:$0x2] =	wrdreg s2  }
0xb0: {  	[dreg:$0x3] =	wrdreg s19  }
0xb1: {  	[dreg:$0x4] =	wrdreg $0x9  }
0xb2: {  	_ =	task.clear_ibuf [dreg:s8], $0x5FFFF;
	_ =	strace $0x90000046  }
0xb3: {  	s29 =	simm.s32 $0x9;
	_ =	strace $0x80000048  }
0xb4: {  	_ =	swait.ge [sflag:s29], $0x1  }
0xb5: {  	[sflag:s29] =	ssyncadd.s32 $0xFFFFFFFF  }
0xb6: {  	_ =	strace $0x90000048  }
0xb7: {  	_ =	sfence  }
0xb8: {  	s30 =	sld [smem:$0x0];
	_ =	sdelay $0x2  }
0xb9: {  	s31 =	sshll.u32 s1, $0xD;
	s1 =	sshrl.u32 s1, $0x2  }
0xba: {  	s3 =	sand.u32 $0x4000, s31;
	s1 =	sadd.s32 s1, s30  }
0xbb: {  	s0 =	sor.u32 s3, s0;
	s1 =	sshll.u32 s1, $0x11  }
0xbc: {  	s0 =	sor.u32 s1, s0  }
0xbd: {  	s0 =	sadd.s32 $0x8F2B, s0  }
0xbe: {  	[sflag:s0] =	ssyncadd.remote.s32 $0x1  }
0xbf: {  	_ =	sfence.sel $0xFFFF  }
0xc0: {  	[dreg:$0x0] =	wrdreg $0xFFFFFFFF;
	(pc) =	sbr.abs _section_cstart, $3  }
0xc1: {  	[dreg:$0x1] =	wrdreg $0xFFFFFFFF  }
0xc2: {  	_ =	task.clear_ibuf [dreg:s8], $0x2FFFF;
	_ =	strace $0x9FFFFFFF  }
0xc3: {  	(tm) =	ssettm $0x7FFFFFFF  }
tec
execute0_lowered:
.L_overlay_start_1:
0x0: {  	(tag) =	ssettag $0x1  }
0x1: {  	s4 =	rddreg [dreg:$0x0]  }
0x2: {  	s11 =	rddreg [dreg:$0x1];
	s2 =	srdreg.scid  }
0x3: {  	s0 =	rddreg [dreg:$0x2];
	s1 =	stileid.u32;
	s16 =	sand.u32 $0x1, s2  }
0x4: {  	s2 =	simm.s32 $0x0;
	s3 =	sshll.u32 s1, $0xE;
	s5 =	sshll.u32 s16, $0xD  }
0x5: {  	[smem:$0x7FF] =	sst s2;
	s7 =	sor.u32 s5, s3  }
0x6: {  	_ =	strace $0x80000047;
	s3 =	sadd.s32 s4, s7;
	s12 =	sor.u32 $0x1000, s7  }
0x7: {  	[tilespmem:s2], [sflag:$0x1] =	stream.linear.gather [hbm4b:s3+s2], $0x8000, $0x38;
	[tilespmem:$0x10000] =	vst v63  }
0x8: {  	s6 =	simm.s32 $0x1;
	s5 =	simm.s32 $0x8000;
	s4 =	sadd.s32 s4, s12  }
0x9: {  	[tilespmem:s5], [sflag:$0x1] =	stream.linear.gather [hbm4b:s4+s2], $0x8000, $0x38;
	[tilespmem:$0x10000] =	vst v63  }
0xa: {  	_ =	swait.ge [sflag:s6], $0x8000  }
0xb: {  	[sflag:s6] =	ssyncset.done $0x0  }
0xc: {  	s7 =	sadd.s32 s11, s7;
	[sflag:s6] =	ssyncadd.s32 $0xFFFF8000  }
0xd: {  	[hbm4b:s7+s2] =	stream.linear.scatter [tilespmem:s2], [sflag:$0x2], $0x8000, $0x38;
	[tilespmem:$0x10000] =	vst v63  }
0xe: {  	s8 =	sadd.s32 $0x40000, s7  }
0xf: {  	[hbm4b:s8+s2] =	stream.linear.scatter [tilespmem:s2], [sflag:$0x2], $0x8000, $0x38;
	[tilespmem:$0x10000] =	vst v63  }
0x10: {  	s9 =	sadd.s32 $0x80000, s7  }
0x11: {  	[hbm4b:s9+s2] =	stream.linear.scatter [tilespmem:s2], [sflag:$0x2], $0x8000, $0x38;
	[tilespmem:$0x10000] =	vst v63  }
0x12: {  	s10 =	sadd.s32 $0xC0000, s7  }
0x13: {  	[hbm4b:s10+s2] =	stream.linear.scatter [tilespmem:s2], [sflag:$0x2], $0x8000, $0x38;
	[tilespmem:$0x10000] =	vst v63  }
0x14: {  	_ =	swait.ge [sflag:s6], $0x8000  }
0x15: {  	[sflag:s6] =	ssyncset.done $0x0  }
0x16: {  	s11 =	sadd.s32 s11, s12;
	[sflag:s6] =	ssyncadd.s32 $0xFFFF8000  }
0x17: {  	[hbm4b:s11+s2] =	stream.linear.scatter [tilespmem:s5], [sflag:$0x2], $0x8000, $0x38;
	[tilespmem:$0x10000] =	vst v63  }
0x18: {  	s12 =	sadd.s32 $0x41000, s7  }
0x19: {  	[hbm4b:s12+s2] =	stream.linear.scatter [tilespmem:s5], [sflag:$0x2], $0x8000, $0x38;
	[tilespmem:$0x10000] =	vst v63  }
0x1a: {  	s13 =	sadd.s32 $0x81000, s7  }
0x1b: {  	[hbm4b:s13+s2] =	stream.linear.scatter [tilespmem:s5], [sflag:$0x2], $0x8000, $0x38;
	[tilespmem:$0x10000] =	vst v63  }
0x1c: {  	s14 =	simm.s32 $0x2;
	s15 =	sadd.s32 $0xC1000, s7  }
0x1d: {  	[hbm4b:s15+s2] =	stream.linear.scatter [tilespmem:s5], [sflag:$0x2], $0x8000, $0x38;
	[tilespmem:$0x10000] =	vst v63  }
0x1e: {  	_ =	swait.ge [sflag:s14], $0x8000  }
0x1f: {  	[sflag:s14] =	ssyncset.done $0x0  }
0x20: {  	[sflag:s14] =	ssyncadd.s32 $0xFFFF8000  }
0x21: {  	_ =	swait.ge [sflag:s14], $0x8000  }
0x22: {  	[sflag:s14] =	ssyncset.done $0x0  }
0x23: {  	[sflag:s14] =	ssyncadd.s32 $0xFFFF8000  }
0x24: {  	_ =	swait.ge [sflag:s14], $0x8000  }
0x25: {  	[sflag:s14] =	ssyncset.done $0x0  }
0x26: {  	[sflag:s14] =	ssyncadd.s32 $0xFFFF8000  }
0x27: {  	_ =	swait.ge [sflag:s14], $0x8000  }
0x28: {  	[sflag:s14] =	ssyncset.done $0x0  }
0x29: {  	[sflag:s14] =	ssyncadd.s32 $0xFFFF8000  }
0x2a: {  	_ =	swait.ge [sflag:s14], $0x8000  }
0x2b: {  	s16 =	ssub.s32 $0x2, s16;
	[sflag:s14] =	ssyncset.done $0x0  }
0x2c: {  	s17 =	sshrl.u32 s16, $0x1;
	[sflag:s14] =	ssyncadd.s32 $0xFFFF8000  }
0x2d: {  	s16 =	ssub.s32 s16, s17;
	_ =	swait.ge [sflag:s14], $0x8000  }
0x2e: {  	s16 =	smax.u32 s16, $0x1;
	[sflag:s14] =	ssyncset.done $0x0  }
0x2f: {  	p0 =	sne.s32 s16, $0x1;
	[sflag:s14] =	ssyncadd.s32 $0xFFFF8000  }
.Ltmp0:
0x30: {  	_ =	swait.ge [sflag:s14], $0x8000;
	(pc) =	sbr.rel @!p0 .LBB2_2-.Ltmp0, $4  }
0x31: {  	[sflag:s14] =	ssyncset.done $0x0  }
0x32: {  	[sflag:s14] =	ssyncadd.s32 $0xFFFF8000  }
0x33: {  	_ =	swait.ge [sflag:s14], $0x8000  }
0x34: {  	s16 =	sadd.s32 $0xFFFFFFFF, s16;
	[sflag:s14] =	ssyncset.done $0x0  }
.LBB2_1:
0x35: {  	p0 =	sne.s32 s16, $0x1;
	s16 =	sadd.s32 $0xFFFFFFFF, s16;
	[sflag:s14] =	ssyncadd.s32 $0xFFFF8000  }
0x36: {  	[tilespmem:s2], [sflag:$0x1] =	stream.linear.gather [hbm4b:s3+s2], $0x8000, $0x38;
	[tilespmem:$0x10000] =	vst v63  }
0x37: {  	_ = 	snop  }
0x38: {  	[tilespmem:s5], [sflag:$0x1] =	stream.linear.gather [hbm4b:s4+s2], $0x8000, $0x38;
	[tilespmem:$0x10000] =	vst v63  }
0x39: {  	_ =	swait.ge [sflag:s6], $0x8000  }
0x3a: {  	[sflag:s6] =	ssyncset.done $0x0  }
0x3b: {  	[sflag:s6] =	ssyncadd.s32 $0xFFFF8000  }
0x3c: {  	[hbm4b:s7+s2] =	stream.linear.scatter [tilespmem:s2], [sflag:$0x2], $0x8000, $0x38;
	[tilespmem:$0x10000] =	vst v63  }
0x3d: {  	_ = 	snop  }
0x3e: {  	[hbm4b:s8+s2] =	stream.linear.scatter [tilespmem:s2], [sflag:$0x2], $0x8000, $0x38;
	[tilespmem:$0x10000] =	vst v63  }
0x3f: {  	_ = 	snop  }
0x40: {  	[hbm4b:s9+s2] =	stream.linear.scatter [tilespmem:s2], [sflag:$0x2], $0x8000, $0x38;
	[tilespmem:$0x10000] =	vst v63  }
0x41: {  	_ = 	snop  }
0x42: {  	[hbm4b:s10+s2] =	stream.linear.scatter [tilespmem:s2], [sflag:$0x2], $0x8000, $0x38;
	[tilespmem:$0x10000] =	vst v63  }
0x43: {  	_ =	swait.ge [sflag:s6], $0x8000  }
0x44: {  	[sflag:s6] =	ssyncset.done $0x0  }
0x45: {  	[sflag:s6] =	ssyncadd.s32 $0xFFFF8000  }
0x46: {  	[hbm4b:s11+s2] =	stream.linear.scatter [tilespmem:s5], [sflag:$0x2], $0x8000, $0x38;
	[tilespmem:$0x10000] =	vst v63  }
0x47: {  	_ = 	snop  }
0x48: {  	[hbm4b:s12+s2] =	stream.linear.scatter [tilespmem:s5], [sflag:$0x2], $0x8000, $0x38;
	[tilespmem:$0x10000] =	vst v63  }
0x49: {  	_ = 	snop  }
0x4a: {  	[hbm4b:s13+s2] =	stream.linear.scatter [tilespmem:s5], [sflag:$0x2], $0x8000, $0x38;
	[tilespmem:$0x10000] =	vst v63  }
0x4b: {  	_ = 	snop  }
0x4c: {  	[hbm4b:s15+s2] =	stream.linear.scatter [tilespmem:s5], [sflag:$0x2], $0x8000, $0x38;
	[tilespmem:$0x10000] =	vst v63  }
0x4d: {  	_ =	swait.ge [sflag:s14], $0x8000  }
0x4e: {  	[sflag:s14] =	ssyncset.done $0x0  }
0x4f: {  	[sflag:s14] =	ssyncadd.s32 $0xFFFF8000  }
0x50: {  	_ =	swait.ge [sflag:s14], $0x8000  }
0x51: {  	[sflag:s14] =	ssyncset.done $0x0  }
0x52: {  	[sflag:s14] =	ssyncadd.s32 $0xFFFF8000  }
0x53: {  	_ =	swait.ge [sflag:s14], $0x8000  }
0x54: {  	[sflag:s14] =	ssyncset.done $0x0  }
0x55: {  	[sflag:s14] =	ssyncadd.s32 $0xFFFF8000  }
0x56: {  	_ =	swait.ge [sflag:s14], $0x8000  }
0x57: {  	[sflag:s14] =	ssyncset.done $0x0  }
0x58: {  	[sflag:s14] =	ssyncadd.s32 $0xFFFF8000  }
0x59: {  	_ =	swait.ge [sflag:s14], $0x8000  }
0x5a: {  	[sflag:s14] =	ssyncset.done $0x0  }
0x5b: {  	[sflag:s14] =	ssyncadd.s32 $0xFFFF8000  }
0x5c: {  	_ =	swait.ge [sflag:s14], $0x8000  }
0x5d: {  	[sflag:s14] =	ssyncset.done $0x0  }
0x5e: {  	[sflag:s14] =	ssyncadd.s32 $0xFFFF8000  }
.Ltmp1:
0x5f: {  	_ =	swait.ge [sflag:s14], $0x8000;
	(pc) =	sbr.rel @p0 .LBB2_1-.Ltmp1, $4  }
0x60: {  	[sflag:s14] =	ssyncset.done $0x0  }
0x61: {  	[sflag:s14] =	ssyncadd.s32 $0xFFFF8000  }
0x62: {  	_ =	swait.ge [sflag:s14], $0x8000  }
0x63: {  	[sflag:s14] =	ssyncset.done $0x0  }
.LBB2_2:
0x64: {  	[sflag:s14] =	ssyncadd.s32 $0xFFFF8000  }
0x65: {  	_ =	sfence.sel $0x180000  }
0x66: {  	[bflag:$0x0] =	sbarrier.arrive $0xFFFF  }
0x67: {  	p0 =	sne.s32 s1, $0x0;
	_ =	strace $0x90000047  }
0x68: {  	s0 =	sadd.s32 @!p0 $0x100000, s0;
	[bflag:$0x2] =	sbarrier.arrive $0xFFFF  }
0x69: {  	[sflag:s0] =	ssyncadd.tile.s32 @!p0 $0x1;
	_ =	shalt  }
.Lfunc_end2:
_tile_overlayer_lowered:
.L_overlay_start_2:
0x6a: {  	(tag) =	ssettag $0x2  }
0x6b: {  	s0 =	rddreg [dreg:$0x0];
	s2 =	stileid.u32  }
0x6c: {  	s1 =	rddreg [dreg:$0x1];
	p0 =	sne.s32 s2, $0x0  }
0x6d: {  	s3 =	rddreg [dreg:$0x2];
	[bflag:$0x3] =	sbarrier.arrive $0xFFFF;
	s2 =	simm.s32 @!p0 $0x1C03  }
0x6e: {  	[timem:s3], [sflag:s2] =	dma.local @!p0 [hbm:s0], s1  }
0x6f: {  	s0 =	simm.s32 @!p0 $0x3  }
0x70: {  	_ =	swait.ge @!p0 [sflag:s0], s1  }
0x71: {  	s1 =	ssub.s32 @!p0 $0x0, s1;
	[sflag:s0] =	ssyncset.done @!p0 $0x0  }
0x72: {  	[sflag:s0] =	ssyncadd.s32 @!p0 s1  }
0x73: {  	[bflag:$0x3] =	sbarrier.arrive $0xFFFF  }
0x74: {  	_ =	shalt  }

</sc_bundles>
